<compile_context>
chip_gen: v7x
topology: tpu7x:2x2x1
jax: 0.10.2.dev20260603
libtpu: 0.0.44.dev20260713+nightly
codegen_flags: <defaults>
</compile_context>

<pallas_src>
import jax
import jax.numpy as jnp
import numpy as np
from jax.experimental import pallas as pl
from jax.experimental.pallas import tpu as pltpu

_G = 152
_NA = 3
_NF = 10
_R = 152
_ANCHOR_W = (1.08, 3.42, 6.63)
_ANCHOR_H = (1.19, 4.41, 11.38)


def _decode_block(stride_ref, x_ref, o_ref):
    a = pl.program_id(1)
    rchunk = pl.program_id(2)
    s = stride_ref[0, 0]

    aw = jnp.where(a == 0, _ANCHOR_W[0], jnp.where(a == 1, _ANCHOR_W[1], _ANCHOR_W[2]))
    ah = jnp.where(a == 0, _ANCHOR_H[0], jnp.where(a == 1, _ANCHOR_H[1], _ANCHOR_H[2]))

    v = x_ref[0, 0]
    jj = jax.lax.broadcasted_iota(jnp.int32, (_R, _G), 1).astype(jnp.float32)
    ii = (jax.lax.broadcasted_iota(jnp.int32, (_R, _G), 0) + rchunk * _R).astype(jnp.float32)

    sig = jax.nn.sigmoid
    planes = [
        (sig(v[0]) + jj) * s,
        (sig(v[1]) + ii) * s,
        jnp.exp(v[2]) * aw,
        jnp.exp(v[3]) * ah,
        v[4],
        v[5],
        sig(v[6]),
        sig(v[7]),
        sig(v[8]),
        sig(v[9]),
    ]
    dec = jnp.stack(planes, axis=0)
    o_ref[0, 0] = jnp.transpose(dec, (1, 2, 0))


def kernel(x, img_size):
    n = x.shape[0]
    x5 = x.reshape(n, _NA, _NF, _G, _G)
    stride = (jnp.float32(img_size) / _G).reshape(1, 1)

    out = pl.pallas_call(
        _decode_block,
        grid=(n, _NA, _G // _R),
        in_specs=[
            pl.BlockSpec(memory_space=pltpu.SMEM),
            pl.BlockSpec((1, 1, _NF, _R, _G), lambda b, a, r: (b, a, 0, r, 0)),
        ],
        out_specs=pl.BlockSpec((1, 1, _R, _G, _NF), lambda b, a, r: (b, a, r, 0, 0)),
        out_shape=jax.ShapeDtypeStruct((n, _NA, _G, _G, _NF), jnp.float32),
    )(stride, x5)
    return out.reshape(n, _NA * _G * _G, _NF)

# --- scband reference (transcript-rebuilt; emitter-appended) ---
"""Pipeline reference for scband-yolo-layer-66692252172899 (READ-ONLY COPY).

The authoritative reference and input builder live on the scoring server;
editing this copy changes nothing except your own understanding.
"""

import jax, jax.numpy as jnp
import numpy as np

NUM_CLASSES = 3
ANCHORS = np.array([[1.08, 1.19, 0.0, 0.0], [3.42, 4.41, 0.0, 0.0], [6.63, 11.38, 0.0, 0.0]], dtype=np.float32)
NUM_ANCHORS = ANCHORS.shape[0]
SCALE_X_Y = 1.0


def setup_inputs(seed: int = 0) -> dict:
    key = jax.random.key(seed)
    x = jax.random.normal(key, (32, NUM_ANCHORS * (NUM_CLASSES + 7), 152, 152), dtype=jnp.float32)
    return {"x": x, "img_size": 608}


def reference(x, img_size):
    num_samples = x.shape[0]
    grid_size = x.shape[3]
    g = grid_size
    stride = img_size / grid_size
    pred = x.reshape(num_samples, NUM_ANCHORS, NUM_CLASSES + 7, g, g)
    pred = jnp.transpose(pred, (0, 1, 3, 4, 2))
    px = jax.nn.sigmoid(pred[..., 0]) * SCALE_X_Y - 0.5 * (SCALE_X_Y - 1)
    py = jax.nn.sigmoid(pred[..., 1]) * SCALE_X_Y - 0.5 * (SCALE_X_Y - 1)
    w = pred[..., 2]
    h = pred[..., 3]
    im = pred[..., 4]
    re = pred[..., 5]
    pred_conf = jax.nn.sigmoid(pred[..., 6])
    pred_cls = jax.nn.sigmoid(pred[..., 7:])
    # grid offsets: grid_x[..., i, j] = j ; grid_y[..., i, j] = i
    ar = jnp.arange(g, dtype=jnp.float32)
    grid_x = jnp.tile(ar.reshape(1, g), (g, 1)).reshape(1, 1, g, g)
    grid_y = jnp.tile(ar.reshape(1, g), (g, 1)).T.reshape(1, 1, g, g)
    anchors = jnp.asarray(ANCHORS)
    scaled_anchors = jnp.stack([anchors[:, 0] / stride, anchors[:, 1] / stride, anchors[:, 2], anchors[:, 3]], axis=1)
    anchor_w = scaled_anchors[:, 0].reshape(1, NUM_ANCHORS, 1, 1)
    anchor_h = scaled_anchors[:, 1].reshape(1, NUM_ANCHORS, 1, 1)
    sg = jax.lax.stop_gradient
    bx = sg(px) + grid_x
    by = sg(py) + grid_y
    bw = jnp.exp(sg(w)) * anchor_w
    bh = jnp.exp(sg(h)) * anchor_h
    bim = sg(im)
    bre = sg(re)
    boxes_xywh = jnp.stack([bx, by, bw, bh], axis=-1).reshape(num_samples, -1, 4) * stride
    boxes_imre = jnp.stack([bim, bre], axis=-1).reshape(num_samples, -1, 2)
    output = jnp.concatenate([
        boxes_xywh,
        boxes_imre,
        pred_conf.reshape(num_samples, -1, 1),
        pred_cls.reshape(num_samples, -1, NUM_CLASSES),
    ], axis=-1)
    return output

if __name__ == "__main__":
    import jax
    _d = setup_inputs()
    print(jax.jit(kernel)(*tuple(_d.values())))

</pallas_src>

<mosaic_0001>
module attributes {stable_mosaic.version = 14 : i64} {
  func.func @_decode_block(%arg0: i32, %arg1: i32, %arg2: i32, %arg3: memref<1x1xf32, #tpu.memory_space<smem>>, %arg4: memref<1x1x10x152x152xf32, #tpu.memory_space<vmem>>, %arg5: memref<1x1x152x152x10xf32, #tpu.memory_space<vmem>>) attributes {dimension_semantics = [#tpu.dimension_semantics<arbitrary>, #tpu.dimension_semantics<arbitrary>, #tpu.dimension_semantics<arbitrary>], iteration_bounds = array<i64: 32, 3, 1>, scalar_prefetch = 0 : i64, scratch_operands = 0 : i64, tpu.core_type = #tpu.core_type<tc>, window_params = [{transform_indices = @transform_0, window_bounds = array<i64: 1, 1>}, {transform_indices = @transform_1, window_bounds = array<i64: 1, 1, 10, 152, 152>}, {transform_indices = @transform_2, window_bounds = array<i64: 1, 1, 152, 152, 10>}]} {
    %get3A = arith.constant 0 : index
    %get3A_0 = arith.constant 0 : index
    %get3A_1 = memref.load %arg3[%get3A, %get3A_0] : memref<1x1xf32, #tpu.memory_space<smem>>
    %eq3A = arith.constant 0 : i32
    %eq3A_2 = arith.cmpi eq, %arg1, %eq3A : i32
    %eq3A_3 = arith.constant 1 : i32
    %eq3A_4 = arith.cmpi eq, %arg1, %eq3A_3 : i32
    %jit3A = arith.constant 3.420000e+00 : f32
    %jit3A_5 = arith.constant 6.630000e+00 : f32
    %select_n3A = arith.select %eq3A_4, %jit3A, %jit3A_5 : f32
    %jit3A_6 = arith.constant 1.080000e+00 : f32
    %select_n3A_7 = arith.select %eq3A_2, %jit3A_6, %select_n3A : f32
    %eq3A_8 = arith.constant 0 : i32
    %eq3A_9 = arith.cmpi eq, %arg1, %eq3A_8 : i32
    %eq3A_10 = arith.constant 1 : i32
    %eq3A_11 = arith.cmpi eq, %arg1, %eq3A_10 : i32
    %jit3A_12 = arith.constant 4.410000e+00 : f32
    %jit3A_13 = arith.constant 1.138000e+01 : f32
    %select_n3A_14 = arith.select %eq3A_11, %jit3A_12, %jit3A_13 : f32
    %jit3A_15 = arith.constant 1.190000e+00 : f32
    %select_n3A_16 = arith.select %eq3A_9, %jit3A_15, %select_n3A_14 : f32
    %get3A_17 = arith.constant 0 : index
    %get3A_18 = arith.constant 0 : index
    %get3A_19 = arith.constant 0 : index
    %get3A_20 = arith.constant 0 : index
    %get3A_21 = arith.constant 0 : index
    %get3A_22 = vector.load %arg4[%get3A_17, %get3A_18, %get3A_19, %get3A_20, %get3A_21] : memref<1x1x10x152x152xf32, #tpu.memory_space<vmem>>, vector<1x1x10x152x152xf32>
    %get3A_23 = vector.shape_cast %get3A_22 : vector<1x1x10x152x152xf32> to vector<10x152x152xf32>
    %iota3A = tpu.iota {dimensions = array<i32: 1>} : vector<152x152xi32>
    %convert_element_type3A = arith.sitofp %iota3A : vector<152x152xi32> to vector<152x152xf32>
    %iota3A_24 = tpu.iota {dimensions = array<i32: 0>} : vector<152x152xi32>
    %mul3A = arith.constant 152 : i32
    %mul3A_25 = arith.muli %arg2, %mul3A : i32
    %add3A = vector.broadcast %mul3A_25 : i32 to vector<152x152xi32>
    %add3A_26 = arith.addi %iota3A_24, %add3A : vector<152x152xi32>
    %convert_element_type3A_27 = arith.sitofp %add3A_26 : vector<152x152xi32> to vector<152x152xf32>
    %slice3A = vector.extract_strided_slice %get3A_23 {offsets = [0, 0, 0], sizes = [1, 152, 152], strides = [1, 1, 1]} : vector<10x152x152xf32> to vector<1x152x152xf32>
    %squeeze3A = vector.shape_cast %slice3A : vector<1x152x152xf32> to vector<152x152xf32>
    %logistic3A = arith.negf %squeeze3A : vector<152x152xf32>
    %logistic3A_28 = math.exp %logistic3A : vector<152x152xf32>
    %logistic3A_29 = arith.constant 1.000000e+00 : f32
    %logistic3A_30 = vector.broadcast %logistic3A_29 : f32 to vector<152x152xf32>
    %logistic3A_31 = arith.addf %logistic3A_30, %logistic3A_28 : vector<152x152xf32>
    %logistic3A_32 = arith.divf %logistic3A_30, %logistic3A_31 : vector<152x152xf32>
    %add3A_33 = arith.addf %logistic3A_32, %convert_element_type3A : vector<152x152xf32>
    %mul3A_34 = vector.broadcast %get3A_1 : f32 to vector<152x152xf32>
    %mul3A_35 = arith.mulf %add3A_33, %mul3A_34 : vector<152x152xf32>
    %slice3A_36 = vector.extract_strided_slice %get3A_23 {offsets = [1, 0, 0], sizes = [1, 152, 152], strides = [1, 1, 1]} : vector<10x152x152xf32> to vector<1x152x152xf32>
    %squeeze3A_37 = vector.shape_cast %slice3A_36 : vector<1x152x152xf32> to vector<152x152xf32>
    %logistic3A_38 = arith.negf %squeeze3A_37 : vector<152x152xf32>
    %logistic3A_39 = math.exp %logistic3A_38 : vector<152x152xf32>
    %logistic3A_40 = arith.constant 1.000000e+00 : f32
    %logistic3A_41 = vector.broadcast %logistic3A_40 : f32 to vector<152x152xf32>
    %logistic3A_42 = arith.addf %logistic3A_41, %logistic3A_39 : vector<152x152xf32>
    %logistic3A_43 = arith.divf %logistic3A_41, %logistic3A_42 : vector<152x152xf32>
    %add3A_44 = arith.addf %logistic3A_43, %convert_element_type3A_27 : vector<152x152xf32>
    %mul3A_45 = vector.broadcast %get3A_1 : f32 to vector<152x152xf32>
    %mul3A_46 = arith.mulf %add3A_44, %mul3A_45 : vector<152x152xf32>
    %slice3A_47 = vector.extract_strided_slice %get3A_23 {offsets = [2, 0, 0], sizes = [1, 152, 152], strides = [1, 1, 1]} : vector<10x152x152xf32> to vector<1x152x152xf32>
    %squeeze3A_48 = vector.shape_cast %slice3A_47 : vector<1x152x152xf32> to vector<152x152xf32>
    %exp3A = math.exp %squeeze3A_48 : vector<152x152xf32>
    %mul3A_49 = vector.broadcast %select_n3A_7 : f32 to vector<152x152xf32>
    %mul3A_50 = arith.mulf %exp3A, %mul3A_49 : vector<152x152xf32>
    %slice3A_51 = vector.extract_strided_slice %get3A_23 {offsets = [3, 0, 0], sizes = [1, 152, 152], strides = [1, 1, 1]} : vector<10x152x152xf32> to vector<1x152x152xf32>
    %squeeze3A_52 = vector.shape_cast %slice3A_51 : vector<1x152x152xf32> to vector<152x152xf32>
    %exp3A_53 = math.exp %squeeze3A_52 : vector<152x152xf32>
    %mul3A_54 = vector.broadcast %select_n3A_16 : f32 to vector<152x152xf32>
    %mul3A_55 = arith.mulf %exp3A_53, %mul3A_54 : vector<152x152xf32>
    %slice3A_56 = vector.extract_strided_slice %get3A_23 {offsets = [4, 0, 0], sizes = [1, 152, 152], strides = [1, 1, 1]} : vector<10x152x152xf32> to vector<1x152x152xf32>
    %squeeze3A_57 = vector.shape_cast %slice3A_56 : vector<1x152x152xf32> to vector<152x152xf32>
    %slice3A_58 = vector.extract_strided_slice %get3A_23 {offsets = [5, 0, 0], sizes = [1, 152, 152], strides = [1, 1, 1]} : vector<10x152x152xf32> to vector<1x152x152xf32>
    %squeeze3A_59 = vector.shape_cast %slice3A_58 : vector<1x152x152xf32> to vector<152x152xf32>
    %slice3A_60 = vector.extract_strided_slice %get3A_23 {offsets = [6, 0, 0], sizes = [1, 152, 152], strides = [1, 1, 1]} : vector<10x152x152xf32> to vector<1x152x152xf32>
    %squeeze3A_61 = vector.shape_cast %slice3A_60 : vector<1x152x152xf32> to vector<152x152xf32>
    %logistic3A_62 = arith.negf %squeeze3A_61 : vector<152x152xf32>
    %logistic3A_63 = math.exp %logistic3A_62 : vector<152x152xf32>
    %logistic3A_64 = arith.constant 1.000000e+00 : f32
    %logistic3A_65 = vector.broadcast %logistic3A_64 : f32 to vector<152x152xf32>
    %logistic3A_66 = arith.addf %logistic3A_65, %logistic3A_63 : vector<152x152xf32>
    %logistic3A_67 = arith.divf %logistic3A_65, %logistic3A_66 : vector<152x152xf32>
    %slice3A_68 = vector.extract_strided_slice %get3A_23 {offsets = [7, 0, 0], sizes = [1, 152, 152], strides = [1, 1, 1]} : vector<10x152x152xf32> to vector<1x152x152xf32>
    %squeeze3A_69 = vector.shape_cast %slice3A_68 : vector<1x152x152xf32> to vector<152x152xf32>
    %logistic3A_70 = arith.negf %squeeze3A_69 : vector<152x152xf32>
    %logistic3A_71 = math.exp %logistic3A_70 : vector<152x152xf32>
    %logistic3A_72 = arith.constant 1.000000e+00 : f32
    %logistic3A_73 = vector.broadcast %logistic3A_72 : f32 to vector<152x152xf32>
    %logistic3A_74 = arith.addf %logistic3A_73, %logistic3A_71 : vector<152x152xf32>
    %logistic3A_75 = arith.divf %logistic3A_73, %logistic3A_74 : vector<152x152xf32>
    %slice3A_76 = vector.extract_strided_slice %get3A_23 {offsets = [8, 0, 0], sizes = [1, 152, 152], strides = [1, 1, 1]} : vector<10x152x152xf32> to vector<1x152x152xf32>
    %squeeze3A_77 = vector.shape_cast %slice3A_76 : vector<1x152x152xf32> to vector<152x152xf32>
    %logistic3A_78 = arith.negf %squeeze3A_77 : vector<152x152xf32>
    %logistic3A_79 = math.exp %logistic3A_78 : vector<152x152xf32>
    %logistic3A_80 = arith.constant 1.000000e+00 : f32
    %logistic3A_81 = vector.broadcast %logistic3A_80 : f32 to vector<152x152xf32>
    %logistic3A_82 = arith.addf %logistic3A_81, %logistic3A_79 : vector<152x152xf32>
    %logistic3A_83 = arith.divf %logistic3A_81, %logistic3A_82 : vector<152x152xf32>
    %slice3A_84 = vector.extract_strided_slice %get3A_23 {offsets = [9, 0, 0], sizes = [1, 152, 152], strides = [1, 1, 1]} : vector<10x152x152xf32> to vector<1x152x152xf32>
    %squeeze3A_85 = vector.shape_cast %slice3A_84 : vector<1x152x152xf32> to vector<152x152xf32>
    %logistic3A_86 = arith.negf %squeeze3A_85 : vector<152x152xf32>
    %logistic3A_87 = math.exp %logistic3A_86 : vector<152x152xf32>
    %logistic3A_88 = arith.constant 1.000000e+00 : f32
    %logistic3A_89 = vector.broadcast %logistic3A_88 : f32 to vector<152x152xf32>
    %logistic3A_90 = arith.addf %logistic3A_89, %logistic3A_87 : vector<152x152xf32>
    %logistic3A_91 = arith.divf %logistic3A_89, %logistic3A_90 : vector<152x152xf32>
    %stack3A = vector.shape_cast %mul3A_35 : vector<152x152xf32> to vector<1x152x152xf32>
    %stack3A_92 = vector.shape_cast %mul3A_46 : vector<152x152xf32> to vector<1x152x152xf32>
    %stack3A_93 = vector.shape_cast %mul3A_50 : vector<152x152xf32> to vector<1x152x152xf32>
    %stack3A_94 = vector.shape_cast %mul3A_55 : vector<152x152xf32> to vector<1x152x152xf32>
    %stack3A_95 = vector.shape_cast %squeeze3A_57 : vector<152x152xf32> to vector<1x152x152xf32>
    %stack3A_96 = vector.shape_cast %squeeze3A_59 : vector<152x152xf32> to vector<1x152x152xf32>
    %stack3A_97 = vector.shape_cast %logistic3A_67 : vector<152x152xf32> to vector<1x152x152xf32>
    %stack3A_98 = vector.shape_cast %logistic3A_75 : vector<152x152xf32> to vector<1x152x152xf32>
    %stack3A_99 = vector.shape_cast %logistic3A_83 : vector<152x152xf32> to vector<1x152x152xf32>
    %stack3A_100 = vector.shape_cast %logistic3A_91 : vector<152x152xf32> to vector<1x152x152xf32>
    %stack3A_101 = tpu.concatenate %stack3A, %stack3A_92, %stack3A_93, %stack3A_94, %stack3A_95, %stack3A_96, %stack3A_97, %stack3A_98, %stack3A_99, %stack3A_100 in 0 : vector<1x152x152xf32>, vector<1x152x152xf32>, vector<1x152x152xf32>, vector<1x152x152xf32>, vector<1x152x152xf32>, vector<1x152x152xf32>, vector<1x152x152xf32>, vector<1x152x152xf32>, vector<1x152x152xf32>, vector<1x152x152xf32> -> vector<10x152x152xf32>
    %transpose3A = tpu.transpose %stack3A_101, [1, 2, 0] : vector<10x152x152xf32> -> vector<152x152x10xf32>
    %swap3A = arith.constant 0 : index
    %swap3A_102 = arith.constant 0 : index
    %swap3A_103 = arith.constant 0 : index
    %swap3A_104 = arith.constant 0 : index
    %swap3A_105 = arith.constant 0 : index
    %swap3A_106 = vector.load %arg5[%swap3A, %swap3A_102, %swap3A_103, %swap3A_104, %swap3A_105] : memref<1x1x152x152x10xf32, #tpu.memory_space<vmem>>, vector<1x1x152x152x10xf32>
    %swap3A_107 = vector.shape_cast %swap3A_106 : vector<1x1x152x152x10xf32> to vector<152x152x10xf32>
    %swap3A_108 = vector.shape_cast %transpose3A : vector<152x152x10xf32> to vector<1x1x152x152x10xf32>
    tpu.vector_store %arg5[%swap3A, %swap3A_102, %swap3A_103, %swap3A_104, %swap3A_105], %swap3A_108 {strides = array<i32>} : memref<1x1x152x152x10xf32, #tpu.memory_space<vmem>>, vector<1x1x152x152x10xf32>,
    return
  }
  func.func @transform_0(%arg0: i32, %arg1: i32, %arg2: i32) -> (i32, i32) {
    %c0_i32 = arith.constant 0 : i32
    %c0_i32_0 = arith.constant 0 : i32
    %c0_i32_1 = arith.constant 0 : i32
    return %c0_i32, %c0_i32_0 : i32, i32
  }
  func.func @transform_1(%arg0: i32, %arg1: i32, %arg2: i32) -> (i32, i32, i32, i32, i32) {
    %c0_i32 = arith.constant 0 : i32
    %c0_i32_0 = arith.constant 0 : i32
    %c0_i32_1 = arith.constant 0 : i32
    return %arg0, %arg1, %c0_i32, %arg2, %c0_i32_0 : i32, i32, i32, i32, i32
  }
  func.func @transform_2(%arg0: i32, %arg1: i32, %arg2: i32) -> (i32, i32, i32, i32, i32) {
    %c0_i32 = arith.constant 0 : i32
    %c0_i32_0 = arith.constant 0 : i32
    %c0_i32_1 = arith.constant 0 : i32
    return %arg0, %arg1, %arg2, %c0_i32, %c0_i32_0 : i32, i32, i32, i32, i32
  }
}

</mosaic_0001>

<sc_bundles>
// kernel: sparse-core-data-format-call.cloned.1.call-start
scs
called_computation_lowered:
.L_overlay_start_0:
0x0: {  	s2 =	sld [smem:$0x3FD9]  }
0x1: {  	s3 =	sld [smem:$0x3FFE];
	_ =	sdelay $0x1  }
0x2: {  	s1 =	srdreg.scid  }
0x3: {  	s0 =	sand.u32 $0x1, s1  }
0x4: {  	s18 =	sshll.u32 s0, $0xA;
	s2 =	sadd.s32 s3, s2  }
0x5: {  	s2 =	sadd.s32 s2, s18  }
0x6: {  	[smem:$0x3FC6] =	sst s2  }
0x7: {  	_ = 	snop  }
0x8: {  	s2 =	sld [smem:$0x3FD0];
	(tm) =	ssettm $0x1  }
0x9: {  	s19 =	sld [smem:$0x3FFB];
	_ =	sdelay $0x3  }
0xa: {  	_ =	strace s19  }
0xb: {  	s3 =	sld [smem:$0x3FFC];
	_ =	sdelay $0x3  }
0xc: {  	_ =	strace s3  }
0xd: {  	s3 =	sld [smem:$0x3FFD];
	_ =	sdelay $0x3  }
0xe: {  	_ =	strace s3  }
0xf: {  	_ =	strace $0x8FFFFFFF  }
0x10: {  	s20 =	sld [smem:$0x3FDB];
	_ =	sdelay $0x1  }
0x11: {  	s4 =	simm.s32 $_scs_section_size  }
0x12: {  	s5 =	simm.s32 $_size__tile_overlayer_lowered;
	s6 =	simm.s32 $_tile_overlayer_lowered  }
0x13: {  	s23 =	simm.s32 $0x1BFF;
	s22 =	sshll.u32 s6, $0x1;
	s3 =	sadd.s32 s4, s20  }
0x14: {  	s7 =	simm.s32 $0x0;
	s21 =	sshll.u32 s5, $0x1;
	s5 =	sadd.s32 s22, s3  }
0x15: {  	[timem:s7], [sflag:s23] =	dma.local [hbm:s5], s21  }
0x16: {  	_ =	swait.ge [sflag:s23], s21  }
0x17: {  	s4 =	ssub.s32 $0x0, s21;
	[sflag:s23] =	ssyncset.done $0x0  }
0x18: {  	[sflag:s23] =	ssyncadd.s32 s4;
	_ =	sdelay $0x1  }
0x19: {  	s24 =	simm.s32 $0x1B8B  }
0x1a: {  	_ =	swait.ge [sflag:s24], $0x1  }
0x1b: {  	[sflag:s24] =	ssyncset.done $0x0  }
0x1c: {  	s26 =	simm.s32 $0x1B8E;
	s25 =	sld [smem:$0x3FFE];
	[sflag:s24] =	ssyncadd.s32 $0xFFFFFFFF  }
0x1d: {  	s27 =	simm.s32 $execute0_lowered;
	[smem:$0x3FD2] =	sst s26  }
0x1e: {  	s5 =	sshll.u32 s27, $0x1;
	_ =	strace $0x80000046;
	[dreg:$0x1] =	wrdreg $0xFFFFFFFF  }
0x1f: {  	s28 =	simm.s32 $_size_execute0_lowered;
	s3 =	sadd.s32 s3, s5;
	[dreg:$0x0] =	wrdreg $0x0  }
0x20: {  	s5 =	sshll.u32 s28, $0x1;
	[dreg:$0x2] =	wrdreg s3  }
0x21: {  	[dreg:$0x3] =	wrdreg s5  }
0x22: {  	[dreg:$0x4] =	wrdreg $0xC0  }
0x23: {  	_ =	task [dreg:s7], $0x5FFFF  }
0x24: {  	[dreg:$0x1] =	wrdreg $0xFFFFFFFF  }
0x25: {  	[dreg:$0x0] =	wrdreg $0x60  }
0x26: {  	[dreg:$0x2] =	wrdreg s25  }
0x27: {  	[dreg:$0x3] =	wrdreg s2  }
0x28: {  	[dreg:$0x4] =	wrdreg $0x9  }
0x29: {  	_ =	task.clear_ibuf [dreg:s7], $0x5FFFF;
	_ =	strace $0x90000046  }
0x2a: {  	s29 =	simm.s32 $0x9;
	_ =	strace $0x80000048  }
0x2b: {  	_ =	swait.ge [sflag:s29], $0x1  }
0x2c: {  	[sflag:s29] =	ssyncadd.s32 $0xFFFFFFFF  }
0x2d: {  	_ =	strace $0x90000048  }
0x2e: {  	_ =	sfence  }
0x2f: {  	s30 =	sld [smem:$0x0];
	_ =	sdelay $0x2  }
0x30: {  	s31 =	sshll.u32 s1, $0xD;
	s1 =	sshrl.u32 s1, $0x2  }
0x31: {  	s3 =	sand.u32 $0x4000, s31;
	s1 =	sadd.s32 s1, s30  }
0x32: {  	s0 =	sor.u32 s3, s0;
	s1 =	sshll.u32 s1, $0x11  }
0x33: {  	s0 =	sor.u32 s1, s0  }
0x34: {  	s0 =	sadd.s32 $0x8F2B, s0  }
0x35: {  	[sflag:s0] =	ssyncadd.remote.s32 $0x1  }
0x36: {  	_ =	sfence.sel $0xFFFF  }
0x37: {  	[dreg:$0x0] =	wrdreg $0xFFFFFFFF;
	(pc) =	sbr.abs _section_cstart, $3  }
0x38: {  	[dreg:$0x1] =	wrdreg $0xFFFFFFFF  }
0x39: {  	_ =	task.clear_ibuf [dreg:s7], $0x2FFFF;
	_ =	strace $0x9FFFFFFF  }
0x3a: {  	(tm) =	ssettm $0x7FFFFFFF  }
0x3b: {  	_ =	shalt  }
tec
execute0_lowered:
.L_overlay_start_1:
0x0: {  	(tag) =	ssettag $0x1  }
0x1: {  	s1 =	rddreg [dreg:$0x0]  }
0x2: {  	s2 =	rddreg [dreg:$0x1];
	_ =	strace $0x80000047;
	s4 =	srdreg.scid  }
0x3: {  	s6 =	simm.s32 $0x2;
	s12 =	simm.s32 $0x0;
	s13 =	simm.s32 $0x0  }
.Ltmp0:
0x4: {  	s8 =	simm.s32 $0x0;
	s10 =	simm.s32 $0x0;
	(pc) =	sbr.rel .LBB1_1-.Ltmp0, $4  }
0x5: {  	s9 =	simm.s32 $0x0;
	s3 =	sadd.s32 $0x400, s1;
	s5 =	sshll.u32 s4, $0x4  }
0x6: {  	s1 =	stileid.u32;
	s4 =	simm.s32 $0x1;
	s5 =	sand.u32 $0x10, s5  }
0x7: {  	s7 =	simm.s32 $0x0;
	[sflag:s4] =	ssyncpa.u1 $0x0;
	s5 =	sor.u32 s1, s5  }
0x8: {  	[sflag:s6] =	ssyncpa.u1 $0x0;
	s6 =	simm.s32 $0x21E000;
	s11 =	smov.u32 s5  }
.LBB1_12:
0x9: {  	s0 =	sshrl.u32 s10, $0x3;
	s17 =	sshll.u32 s8, $0x3  }
0xa: {  	s18 =	sshll.u32 s10, $0x7;
	p0 =	sgt.s32 s8, $0x10E80;
	s0 =	smul.u32 $0x87800, s0  }
0xb: {  	s17 =	sand.u32 $0xFFFFFC00, s17;
	s27 =	sand.u32 $0x380, s18;
	s18 =	smov.u32 s8  }
0xc: {  	s18 =	simm.s32 @!p0 $0x10E80;
	s0 =	sadd.s32 s0, s17  }
0xd: {  	s28 =	sand.u32 $0x7F, s8;
	s15 =	sadd.s32 s15, s18;
	s0 =	sor.u32 s27, s0  }
0xe: {  	s30 =	sadd.s32 $0xFFFEF180, s15;
	s17 =	sor.u32 s28, s0  }
0xf: {  	s15 =	ssub.s32 $0x10F00, s15;
	p0 =	sgt.s32 s30, $0x7F;
	s19 =	smulhi.u32 $0xF1D48BCF, s17  }
0x10: {  	s0 =	smulhi.u32 $0xF1D48BCF, s0;
	s15 =	simm.s32 @p0 $0x0  }
0x11: {  	s14 =	smul.u32 s15, s14;
	s29 =	sshrl.u32 s19, $0x10  }
0x12: {  	s18 =	smul.u32 $0x10F00, s29  }
0x13: {  	s0 =	sshrl.u32 s0, $0x10  }
0x14: {  	s0 =	sand.u32 $0x1F, s0;
	s14 =	smul.u32 $0xA, s14;
	s31 =	ssub.s32 s17, s18  }
0x15: {  	s0 =	smul.u32 $0x21E0, s0;
	s17 =	sshrl.u32 s31, $0x3;
	s15 =	sand.u32 $0x7, s31  }
0x16: {  	s16 =	sor.u32 $0x1000, s16;
	s17 =	sadd.s32 s2, s17;
	s15 =	sshll.u32 s15, $0x12  }
0x17: {  	s14 =	sand.u32 $0x3FFFFFFE, s14;
	s0 =	sadd.s32 s0, s17;
	s15 =	sor.u32 $0x80, s15  }
0x18: {  	[hbm4b:s0+s15] =	stream.strided.scatter [tilespmem:s16], [sflag:$0x2], s14, s6, s15, $0x20;
	[tilespmem:$0x2020] =	vst v63  }
.LBB1_13:
0x19: {  	p0 =	slt.u32 s7, $0x2  }
0x1a: {  	s14 =	smov.u32 s13;
	p1 =	sgt.s32 @!p0 s13, $0x1F;
	s0 =	sshra.s32 @!p0 s13, $0x1F  }
0x1b: {  	p2 =	sgt.s32 @!p0 s12, $0x10E80;
	s15 =	sshra.s32 @!p0 s12, $0x1F;
	p1 =	por !p1, p0  }
0x1c: {  	s0 =	sand.u32 @!p0 s0, s13;
	p2 =	por !p2, p0;
	s13 =	smov.u32 s12  }
0x1d: {  	s12 =	sand.u32 @!p0 s15, s12;
	s14 =	simm.s32 @p1 $0x1F;
	s13 =	simm.s32 @p2 $0x10E80  }
0x1e: {  	s16 =	smov.u32 s11;
	s0 =	ssub.s32 @!p0 s14, s0;
	s12 =	ssub.s32 @!p0 s13, s12  }
0x1f: {  	s13 =	sadd.s32 @!p0 $0xFFFFFFE1, s0;
	s0 =	ssub.s32 @!p0 $0x20, s0;
	s14 =	sadd.s32 @!p0 $0xFFFEF180, s12  }
0x20: {  	p1 =	sgt.s32 @!p0 s13, $0x0;
	s0 =	smul.u32 @!p0 $0xA, s0;
	p2 =	sgt.s32 @!p0 s14, $0x7F  }
0x21: {  	s12 =	ssub.s32 @!p0 $0x10F00, s12;
	p1 =	por !p1, p0;
	p2 =	por !p2, p0  }
0x22: {  	s14 =	sadd.s32 $0x80, s9;
	s0 =	simm.s32 @!p1 $0x0;
	s12 =	simm.s32 @!p2 $0x0  }
0x23: {  	p1 =	sgt.s32 s14, $0x10EBF;
	s0 =	smul.u32 @!p0 s12, s0;
	s12 =	sadd.s32 $0x20, s11  }
0x24: {  	s16 =	smov.u32 @p1 s12  }
0x25: {  	s7 =	sadd.s32 $0x1, s7;
	s14 =	simm.s32 @p1 $0x0;
	p1 =	sgt.s32 s16, $0x1F  }
0x26: {  	s16 =	smov.u32 @p1 s5;
	p1 =	sne.s32 s7, $0x220  }
.Ltmp1:
0x27: {  	_ = 	snop;
	(pc) =	sbr.rel @!p1 .LBB1_14-.Ltmp1, $4  }
0x28: {  	s15 =	simm.s32 @!p0 $0x2;
	s13 =	smov.u32 s10;
	s0 =	sand.u32 @!p0 $0x3FFFFFFE, s0  }
0x29: {  	s10 =	smov.u32 s11;
	s12 =	smov.u32 s8;
	_ =	swait.ge @!p0 [sflag:s15], s0  }
0x2a: {  	s8 =	smov.u32 s9;
	s0 =	ssub.s32 @!p0 $0x0, s0;
	[sflag:s15] =	ssyncset.done @!p0 $0x0  }
0x2b: {  	s9 =	smov.u32 s14;
	s11 =	smov.u32 s16;
	[sflag:s15] =	ssyncadd.s32 @!p0 s0  }
.LBB1_1:
0x2c: {  	p0 =	sgt.u32 s7, $0x21D  }
0x2d: {  	s16 =	smov.u32 s11;
	s18 =	smov.u32 s9;
	p1 =	sgt.s32 @!p0 s11, $0x1F  }
0x2e: {  	s14 =	sand.u32 @!p0 $0x1FFFFFF, s9;
	s17 =	sshra.s32 @!p0 s11, $0x1F;
	p1 =	por !p1, p0  }
0x2f: {  	s19 =	sshra.s32 @!p0 s9, $0x1F;
	s16 =	simm.s32 @p1 $0x1F;
	p1 =	sgt.s32 @!p0 s9, $0x10E40  }
0x30: {  	s15 =	smulhi.u32 @!p0 $0x7906DB, s14;
	s17 =	sand.u32 @!p0 s17, s11;
	p1 =	por !p1, p0  }
0x31: {  	s16 =	ssub.s32 @!p0 s16, s17;
	s17 =	sand.u32 @!p0 s19, s9;
	s18 =	simm.s32 @p1 $0x10E40  }
0x32: {  	s16 =	sadd.s32 @!p0 $0xFFFFFFE1, s16;
	s17 =	ssub.s32 @!p0 s18, s17  }
0x33: {  	s15 =	sshrl.u32 @!p0 s15, $0x7;
	p1 =	sgt.s32 @!p0 s16, $0x0;
	s18 =	sadd.s32 @!p0 $0xFFFEF1C0, s17  }
0x34: {  	s16 =	sshll.u32 @!p0 s16, $0x4;
	s17 =	ssub.s32 @!p0 $0x10EC0, s17;
	p2 =	sgt.s32 @!p0 s18, $0x7F  }
0x35: {  	s16 =	ssub.s32 @!p0 $0x10, s16;
	p1 =	por !p1, p0;
	p2 =	por !p2, p0  }
0x36: {  	s15 =	smul.u32 @!p0 $0x10EC0, s15;
	s16 =	simm.s32 @!p1 $0x0;
	s17 =	simm.s32 @!p2 $0x0  }
0x37: {  	s18 =	sxor.u32 @!p0 $0xFFFFFFFF, s7;
	s16 =	smul.u32 @!p0 s17, s16  }
0x38: {  	s14 =	ssub.s32 @!p0 s14, s15;
	s17 =	sshll.u32 @!p0 s18, $0xB;
	s18 =	smul.u32 @!p0 $0x10EC00, s11  }
0x39: {  	s14 =	sshll.u32 @!p0 s14, $0x4  }
0x3a: {  	s17 =	sand.u32 @!p0 $0x800, s17;
	s15 =	sand.u32 @!p0 $0x3FFFFFF0, s16;
	s16 =	sadd.s32 @!p0 s3, s18  }
0x3b: {  	s18 =	simm.s32 @!p0 $0x80;
	s14 =	sadd.s32 @!p0 s14, s16;
	s16 =	simm.s32 @!p0 $0x10  }
0x3c: {  	[tilespmem:s17], [sflag:$0x1] =	stream.strided.gather @!p0 [hbm4b:s14+s16], s15, s18, s16, $0x38;
	[tilespmem:$0x2020] =	vst v63  }
0x3d: {  	p0 =	seq.s32 s7, $0x0  }
0x3e: {  	p1 =	seq.s32 @!p0 s7, $0x21F  }
0x3f: {  	p0 =	por p0, p1  }
.Ltmp2:
0x40: {  	_ = 	snop;
	(pc) =	sbr.rel @p0 .LBB1_13-.Ltmp2, $1  }
0x41: {  	_ =	sdelay $0x3  }
0x42: {  	p0 =	sgt.s32 s10, $0x1F  }
0x43: {  	s14 =	smov.u32 s10;
	s15 =	sshra.s32 s10, $0x1F;
	s16 =	ssub.s32 $0x0, s8  }
0x44: {  	s17 =	sshra.s32 s8, $0x1F;
	s14 =	simm.s32 @!p0 $0x1F;
	s15 =	sand.u32 s15, s10  }
0x45: {  	s18 =	smov.u32 s8;
	p0 =	sgt.s32 s8, $0x10E40;
	s14 =	ssub.s32 s14, s15  }
0x46: {  	s15 =	sand.u32 s16, s17;
	s18 =	simm.s32 @!p0 $0x10E40;
	s30 =	sadd.s32 $0xFFFFFFE1, s14  }
0x47: {  	s17 =	sadd.s32 s15, s18;
	s14 =	ssub.s32 $0x20, s14;
	p0 =	sgt.s32 s30, $0x0  }
0x48: {  	s31 =	sadd.s32 $0xFFFEF1C0, s17;
	s16 =	ssub.s32 $0x10EC0, s17;
	s17 =	sadd.s32 $0x1, s10  }
0x49: {  	p1 =	sgt.s32 s31, $0x7F;
	s14 =	simm.s32 @p0 $0x0;
	p0 =	slt.s32 s17, $0x20  }
0x4a: {  	s16 =	simm.s32 @p1 $0x0;
	s17 =	simm.s32 @!p0 $0x20  }
0x4b: {  	s16 =	smul.u32 s16, s14;
	s17 =	ssub.s32 s17, s10  }
0x4c: {  	p0 =	slt.s32 s17, $0x1  }
.Ltmp3:
0x4d: {  	s16 =	sshll.u32 s16, $0x4;
	(pc) =	sbr.rel @p0 .LBB1_12-.Ltmp3, $4  }
0x4e: {  	s16 =	sand.u32 $0x3FFFFFF0, s16  }
0x4f: {  	_ =	swait.ge [sflag:s4], s16  }
0x50: {  	s20 =	sand.u32 $0x1, s7;
	s16 =	ssub.s32 $0x0, s16;
	[sflag:s4] =	ssyncset.done $0x0  }
0x51: {  	[sflag:s4] =	ssyncadd.s32 s16;
	s16 =	smul.u32 $0x810, s20  }
0x52: {  	s18 =	sadd.s32 $0x80, s8  }
0x53: {  	p0 =	slt.s32 s18, $0x10EC0  }
0x54: {  	s18 =	simm.s32 @!p0 $0x10EC0  }
0x55: {  	s18 =	ssub.s32 s18, s8  }
0x56: {  	s19 =	sshra.s32 s18, $0x1F  }
.Ltmp4:
0x57: {  	s19 =	sshrl.u32 s19, $0x1D;
	(pc) =	sbr.rel .LBB1_4-.Ltmp4, $4  }
0x58: {  	s19 =	sadd.s32 s19, s18  }
0x59: {  	s20 =	sshll.u32 s20, $0xB;
	s19 =	sand.u32 $0xFFFFFFF8, s19  }
0x5a: {  	s24 =	simm.s32 $0x0;
	s21 =	sor.u32 $0x1000, s16;
	s22 =	ssub.s32 s19, s18  }
0x5b: {  	s23 =	sshll.u32 s19, $0x4;
	p0 =	slt.s32 s19, $0x1;
	p1 =	sge.s32 s19, s18  }
.LBB1_11:
0x5c: {  	s24 =	sadd.s32 $0x1, s24  }
0x5d: {  	p2 =	sne.s32 s24, s17  }
.Ltmp5:
0x5e: {  	_ = 	snop;
	(pc) =	sbr.rel @!p2 .LBB1_12-.Ltmp5, $1  }
0x5f: {  	_ =	sdelay $0x3  }
.LBB1_4:
.Ltmp6:
0x60: {  	(pc) =	sbr.rel @p0 .LBB1_8-.Ltmp6, $3  }
0x61: {  	_ =	sdelay $0x1  }
0x62: {  	s25 =	sshll.u32 s24, $0xD;
	s26 =	sand.u32 $0x7, s24  }
0x63: {  	s25 =	sshra.s32 s25, $0x2;
	s26 =	smul.u32 $0x204, s26  }
0x64: {  	s28 =	sadd.s32 s25, s20  }
0x65: {  	v0 =	vmov s28;
	_ =	sdelay $0x2  }
0x66: {  	s29 =	simm.s32 $0x0  }
0x67: {  	s28 =	sand.u32 $0x780, s29  }
0x68: {  	v7 =	vld.idx.msk [tilespmem:v0+s28+$0x70 ss:$0x1], $0xffff  }
0x69: {  	p2 =	sgt.s32 s19, $0x8;
	v6 =	vld.idx.msk [tilespmem:v0+s28+$0x0 ss:$0x1], $0xffff  }
.Ltmp7:
0x6a: {  	v1 =	vld.idx.msk [tilespmem:v0+s28+$0x10 ss:$0x1], $0xffff;
	(pc) =	sbr.rel @!p2 .LBB1_7-.Ltmp7, $4  }
0x6b: {  	s27 =	sshrl.u32 s26, $0x2;
	v2 =	vld.idx.msk [tilespmem:v0+s28+$0x20 ss:$0x1], $0xffff  }
0x6c: {  	s29 =	sand.u32 $0x78, s29;
	s27 =	sadd.s32 s27, s21;
	v3 =	vld.idx.msk [tilespmem:v0+s28+$0x30 ss:$0x1], $0xffff  }
0x6d: {  	s29 =	sadd.s32 s29, s27;
	v4 =	vld.idx.msk [tilespmem:v0+s28+$0x40 ss:$0x1], $0xffff  }
0x6e: {  	s30 =	simm.s32 $0x8;
	s31 =	simm.s32 $0x80;
	v5 =	vld.idx.msk [tilespmem:v0+s28+$0x50 ss:$0x1], $0xffff;
	[tilespmem:s29+$0x7 ss:$0x81] =	vst.msk $0xffff, v7  }
.LBB1_6:
0x6f: {  	[tilespmem:s29+$0x0 ss:$0x81] =	vst.msk $0xffff, v6;
	v7 =	vld.idx.msk [tilespmem:v0+s28+$0x60 ss:$0x1], $0xffff;
	s28 =	sand.u32 $0x780, s31;
	s0 =	smov.u32 s30;
	s30 =	sadd.s32 $0x8, s30  }
0x70: {  	v8 =	vld.idx.msk [tilespmem:v0+s28+$0x70 ss:$0x1], $0xffff;
	p2 =	slt.s32 s30, s19;
	[tilespmem:s29+$0x1 ss:$0x81] =	vst.msk $0xffff, v1  }
0x71: {  	v6 =	vld.idx.msk [tilespmem:v0+s28+$0x0 ss:$0x1], $0xffff;
	[tilespmem:s29+$0x2 ss:$0x81] =	vst.msk $0xffff, v2  }
.Ltmp8:
0x72: {  	v1 =	vld.idx.msk [tilespmem:v0+s28+$0x10 ss:$0x1], $0xffff;
	[tilespmem:s29+$0x3 ss:$0x81] =	vst.msk $0xffff, v3;
	(pc) =	sbr.rel @p2 .LBB1_6-.Ltmp8, $4  }
0x73: {  	v2 =	vld.idx.msk [tilespmem:v0+s28+$0x20 ss:$0x1], $0xffff;
	[tilespmem:s29+$0x4 ss:$0x81] =	vst.msk $0xffff, v4  }
0x74: {  	s0 =	sand.u32 $0x78, s0;
	v3 =	vld.idx.msk [tilespmem:v0+s28+$0x30 ss:$0x1], $0xffff;
	[tilespmem:s29+$0x5 ss:$0x81] =	vst.msk $0xffff, v5  }
0x75: {  	v4 =	vld.idx.msk [tilespmem:v0+s28+$0x40 ss:$0x1], $0xffff;
	[tilespmem:s29+$0x6 ss:$0x81] =	vst.msk $0xffff, v7;
	s29 =	sadd.s32 s0, s27  }
0x76: {  	s31 =	sadd.s32 $0x80, s31;
	v5 =	vld.idx.msk [tilespmem:v0+s28+$0x50 ss:$0x1], $0xffff;
	[tilespmem:s29+$0x7 ss:$0x81] =	vst.msk $0xffff, v8  }
.LBB1_7:
0x77: {  	_ =	sdelay $0x2  }
0x78: {  	[tilespmem:s29+$0x0 ss:$0x81] =	vst.msk $0xffff, v6  }
0x79: {  	v0 =	vld.idx.msk [tilespmem:v0+s28+$0x60 ss:$0x1], $0xffff;
	[tilespmem:s29+$0x1 ss:$0x81] =	vst.msk $0xffff, v1  }
0x7a: {  	[tilespmem:s29+$0x2 ss:$0x81] =	vst.msk $0xffff, v2  }
0x7b: {  	[tilespmem:s29+$0x3 ss:$0x81] =	vst.msk $0xffff, v3  }
0x7c: {  	[tilespmem:s29+$0x4 ss:$0x81] =	vst.msk $0xffff, v4  }
0x7d: {  	[tilespmem:s29+$0x5 ss:$0x81] =	vst.msk $0xffff, v5  }
0x7e: {  	[tilespmem:s29+$0x6 ss:$0x81] =	vst.msk $0xffff, v0  }
.LBB1_8:
.Ltmp9:
0x7f: {  	(pc) =	sbr.rel @p1 .LBB1_11-.Ltmp9, $1  }
0x80: {  	_ =	sdelay $0x3  }
0x81: {  	s27 =	sadd.s32 s25, s20  }
0x82: {  	v0 =	vmov s27;
	_ =	sdelay $0x1  }
0x83: {  	s31 =	sshrl.u32 s26, $0x2  }
0x84: {  	s26 =	smov.u32 s23;
	s25 =	sadd.s32 s31, s21;
	s27 =	smov.u32 s22  }
.LBB1_10:
0x85: {  	s0 =	sand.u32 $0x7F0, s26;
	s31 =	sadd.s32 s27, s18;
	s27 =	sadd.s32 $0x1, s27  }
0x86: {  	v1 =	vld.idx.msk [tilespmem:v0+s0+$0x0 ss:$0x1], $0xffff;
	p2 =	seq.s32 s27, $0x0  }
.Ltmp10:
0x87: {  	_ = 	snop;
	(pc) =	sbr.rel @!p2 .LBB1_10-.Ltmp10, $4  }
0x88: {  	_ = 	snop  }
0x89: {  	s0 =	sand.u32 $0x7F, s31  }
0x8a: {  	s0 =	sadd.s32 s0, s25  }
0x8b: {  	s26 =	sadd.s32 $0x10, s26;
	[tilespmem:s0+$0x0 ss:$0x81] =	vst.msk $0xffff, v1  }
.Ltmp11:
0x8c: {  	_ = 	snop;
	(pc) =	sbr.rel .LBB1_11-.Ltmp11, $1  }
0x8d: {  	_ =	sdelay $0x3  }
.LBB1_14:
0x8e: {  	_ =	sfence.sel $0x180000  }
0x8f: {  	s0 =	simm.s32 $0x1;
	[bflag:$0x0] =	sbarrier.arrive $0xFFFF  }
0x90: {  	s31 =	simm.s32 $0x2;
	[sflag:s0] =	ssyncpa.u1 $0x1  }
0x91: {  	[sflag:s31] =	ssyncpa.u1 $0x1  }
0x92: {  	_ =	strace $0x90000047  }
0x93: {  	[bflag:$0x2] =	sbarrier.arrive $0xFFFF  }
0x94: {  	p0 =	sne.s32 s1, $0x0;
	s0 =	rddreg [dreg:$0x2]  }
0x95: {  	s0 =	sadd.s32 @!p0 $0x100000, s0  }
0x96: {  	[sflag:s0] =	ssyncadd.tile.s32 @!p0 $0x1;
	_ =	shalt  }
.Lfunc_end1:
_tile_overlayer_lowered:
.L_overlay_start_2:
0x97: {  	(tag) =	ssettag $0x2  }
0x98: {  	s0 =	rddreg [dreg:$0x0];
	s2 =	stileid.u32  }
0x99: {  	s1 =	rddreg [dreg:$0x1];
	p0 =	sne.s32 s2, $0x0  }
0x9a: {  	s3 =	rddreg [dreg:$0x2];
	[bflag:$0x3] =	sbarrier.arrive $0xFFFF;
	s2 =	simm.s32 @!p0 $0x1C01  }
0x9b: {  	[timem:s3], [sflag:s2] =	dma.local @!p0 [hbm:s0], s1  }
0x9c: {  	s0 =	simm.s32 @!p0 $0x1  }
0x9d: {  	_ =	swait.ge @!p0 [sflag:s0], s1  }
0x9e: {  	s1 =	ssub.s32 @!p0 $0x0, s1;
	[sflag:s0] =	ssyncset.done @!p0 $0x0  }
0x9f: {  	[sflag:s0] =	ssyncadd.s32 @!p0 s1  }
0xa0: {  	[bflag:$0x3] =	sbarrier.arrive $0xFFFF  }
0xa1: {  	_ =	shalt  }

</sc_bundles>
